<compile_context>
chip_gen: v7x
topology: tpu7x:2x2x1
jax: 0.10.2.dev20260603
libtpu: 0.0.44.dev20260713+nightly
codegen_flags: <defaults>
</compile_context>

<pallas_src>
import jax
import jax.numpy as jnp
from jax import lax
from jax.experimental import pallas as pl
from jax.experimental.pallas import tpu as pltpu
from jax.experimental.pallas import tpu_sc as plsc

N_VAR = 4
N_POINTS = 49152
D = 128
B = 2
V = 2
P = 4096

NC = 2
NS = 16
NW = NC * NS
ROWS_PER_W = (B * V * P) // NW
CH = 128
NCH = ROWS_PER_W // CH


def _gather_body(table_hbm, var_hbm, patch_hbm, out_hbm, *scr):
    idx_v = scr[0]
    rows_v = scr[1]
    var_v = scr[2]
    sbuf = scr[3]
    gsem = scr[4]
    c = lax.axis_index("c")
    s = lax.axis_index("s")
    w = s * NC + c
    pair = w // 8
    b = pair // V
    v = pair % V
    chunk = w % 8
    pbase = chunk * ROWS_PER_W

    stage = pltpu.async_copy(
        patch_hbm.at[b, pl.ds(pbase, ROWS_PER_W)], sbuf, gsem)
    pltpu.sync_copy(var_hbm.at[pair], var_v)

    off = var_v[...] * N_POINTS

    stage.wait()
    for i in range(ROWS_PER_W // 16):
        idx_v[pl.ds(i * 16, 16)] = sbuf[pl.ds(i * 16, 16)] + off
    pltpu.async_copy(table_hbm.at[idx_v], rows_v, gsem).wait()

    pltpu.sync_copy(rows_v, out_hbm.at[b, v, 0, pl.ds(pbase, ROWS_PER_W), :])


def kernel(mg_embedding, var_indices, patch_idx):
    table2d = mg_embedding.reshape(N_VAR * N_POINTS, D)
    var_tab = jnp.broadcast_to(
        var_indices.astype(jnp.int32).reshape(B * V, 1), (B * V, 16))

    run = pl.kernel(
        _gather_body,
        out_type=jax.ShapeDtypeStruct((B, V, 1, P, D), jnp.float32),
        mesh=plsc.VectorSubcoreMesh(core_axis_name="c", subcore_axis_name="s"),
        scratch_types=(
            [pltpu.VMEM((ROWS_PER_W,), jnp.int32)]
            + [pltpu.VMEM((ROWS_PER_W, D), jnp.float32)]
            + [pltpu.VMEM((16,), jnp.int32)]
            + [pltpu.VMEM((ROWS_PER_W,), jnp.int32)]
            + [pltpu.SemaphoreType.DMA]
        ),
    )
    return run(table2d, var_tab, patch_idx.astype(jnp.int32))

# --- scband reference (transcript-rebuilt; emitter-appended) ---
"""Pipeline reference for scband-mgembedder-32667521253917 (READ-ONLY COPY).

The authoritative reference and input builder live on the scoring server;
editing this copy changes nothing except your own understanding.
"""

import jax, jax.numpy as jnp
import numpy as np

N_VARIABLES = 4
N_POINTS = 49152  # 12 * 4**6 (healpix zoom 6)
EMBED_DIM = 128
B = 2
V = 2
P = 4096


def setup_inputs(seed: int = 0) -> dict:
    key = jax.random.key(seed)
    k1, k2, k3 = jax.random.split(key, 3)
    # learned multigrid embedding table: [n_variables, n_grid_points, embed_dim]
    mg_embedding = jax.random.normal(k1, (N_VARIABLES, N_POINTS, EMBED_DIM), dtype=jnp.float32)
    # variable indices per (batch, var) slot
    var_indices = jax.random.randint(k2, (B, V), 0, N_VARIABLES)
    # precomputed output of grid_layer.get_idx_of_patch(**sample_configs): [B, P] global point indices
    patch_idx = jax.random.randint(k3, (B, P), 0, N_POINTS)
    return {"mg_embedding": mg_embedding, "var_indices": var_indices, "patch_idx": patch_idx}


def reference(mg_embedding, var_indices, patch_idx):
    # get_embeddings_from_var_idx: embedding lookup over variable axis
    embs = mg_embedding[var_indices]  # [B, V, N_POINTS, D]
    # get_patch: idx.view(idx.shape[0], 1, -1, 1) then gather along dim=-2 with expand
    idx = patch_idx.reshape(patch_idx.shape[0], 1, -1, 1)  # [B, 1, P, 1]
    idx_full = jnp.broadcast_to(idx, (embs.shape[0], embs.shape[1], idx.shape[2], embs.shape[3]))
    embs = jnp.take_along_axis(embs, idx_full, axis=-2)  # [B, V, P, D]
    # unsqueeze(dim=2)
    embs = embs[:, :, None, :, :]  # [B, V, 1, P, D]
    return embs

if __name__ == "__main__":
    import jax
    _d = setup_inputs()
    print(jax.jit(kernel)(*tuple(_d.values())))

</pallas_src>

<mosaic_0001>
#map = affine_map<(d0, d1) -> (0, 0)>
#map1 = affine_map<(d0, d1) -> (0, 0, 0, 0, 0)>
module attributes {stable_mosaic.version = 14 : i64} {
  func.func @_gather_body(%arg0: i32, %arg1: i32, %arg2: memref<196608x128xf32, #tpu.memory_space<hbm>>, %arg3: memref<4x16xi32, #tpu.memory_space<hbm>>, %arg4: memref<2x4096xi32, #tpu.memory_space<hbm>>, %arg5: memref<2x2x1x4096x128xf32, #tpu.memory_space<hbm>>, %arg6: memref<512xi32, #tpu.memory_space<vmem>>, %arg7: memref<512x128xf32, #tpu.memory_space<vmem>>, %arg8: memref<16xi32, #tpu.memory_space<vmem>>, %arg9: memref<512xi32, #tpu.memory_space<vmem>>, %arg10: memref<!tpu.dma_semaphore, #tpu.memory_space<semaphore_mem>>) attributes {dimension_semantics = [#tpu.dimension_semantics<core_parallel>, #tpu.dimension_semantics<subcore_parallel>], iteration_bounds = array<i64: 2, 16>, scalar_prefetch = 0 : i64, scratch_operands = 5 : i64, tpu.core_type = #tpu.core_type<sc_vector_subcore>, window_params = [{transform_indices = #map}, {transform_indices = #map}, {transform_indices = #map}, {transform_indices = #map1}]} {
    %mul3A = arith.constant 2 : i32
    %mul3A_0 = arith.muli %arg1, %mul3A : i32
    %add3A = arith.addi %mul3A_0, %arg0 : i32
    %jit3A = arith.constant 8 : i32
    %div3A = arith.divsi %add3A, %jit3A : i32
    %sign3A = arith.constant 0 : i32
    %sign3A_1 = arith.cmpi sgt, %add3A, %sign3A : i32
    %sign3A_2 = arith.extui %sign3A_1 : i1 to i32
    %sign3A_3 = arith.constant 0 : i32
    %sign3A_4 = arith.cmpi slt, %add3A, %sign3A_3 : i32
    %sign3A_5 = arith.extui %sign3A_4 : i1 to i32
    %sign3A_6 = arith.subi %sign3A_2, %sign3A_5 : i32
    %sign3A_7 = arith.constant 0 : i32
    %sign3A_8 = arith.cmpi sgt, %jit3A, %sign3A_7 : i32
    %sign3A_9 = arith.extui %sign3A_8 : i1 to i32
    %sign3A_10 = arith.constant 0 : i32
    %sign3A_11 = arith.cmpi slt, %jit3A, %sign3A_10 : i32
    %sign3A_12 = arith.extui %sign3A_11 : i1 to i32
    %sign3A_13 = arith.subi %sign3A_9, %sign3A_12 : i32
    %ne3A = arith.cmpi ne, %sign3A_6, %sign3A_13 : i32
    %rem3A = arith.remsi %add3A, %jit3A : i32
    %ne3A_14 = arith.constant 0 : i32
    %ne3A_15 = arith.cmpi ne, %rem3A, %ne3A_14 : i32
    %and3A = arith.andi %ne3A, %ne3A_15 : i1
    %sub3A = arith.constant 1 : i32
    %sub3A_16 = arith.subi %div3A, %sub3A : i32
    %select_n3A = arith.select %and3A, %sub3A_16, %div3A : i32
    %jit3A_17 = arith.constant 2 : i32
    %div3A_18 = arith.divsi %select_n3A, %jit3A_17 : i32
    %sign3A_19 = arith.constant 0 : i32
    %sign3A_20 = arith.cmpi sgt, %select_n3A, %sign3A_19 : i32
    %sign3A_21 = arith.extui %sign3A_20 : i1 to i32
    %sign3A_22 = arith.constant 0 : i32
    %sign3A_23 = arith.cmpi slt, %select_n3A, %sign3A_22 : i32
    %sign3A_24 = arith.extui %sign3A_23 : i1 to i32
    %sign3A_25 = arith.subi %sign3A_21, %sign3A_24 : i32
    %sign3A_26 = arith.constant 0 : i32
    %sign3A_27 = arith.cmpi sgt, %jit3A_17, %sign3A_26 : i32
    %sign3A_28 = arith.extui %sign3A_27 : i1 to i32
    %sign3A_29 = arith.constant 0 : i32
    %sign3A_30 = arith.cmpi slt, %jit3A_17, %sign3A_29 : i32
    %sign3A_31 = arith.extui %sign3A_30 : i1 to i32
    %sign3A_32 = arith.subi %sign3A_28, %sign3A_31 : i32
    %ne3A_33 = arith.cmpi ne, %sign3A_25, %sign3A_32 : i32
    %rem3A_34 = arith.remsi %select_n3A, %jit3A_17 : i32
    %ne3A_35 = arith.constant 0 : i32
    %ne3A_36 = arith.cmpi ne, %rem3A_34, %ne3A_35 : i32
    %and3A_37 = arith.andi %ne3A_33, %ne3A_36 : i1
    %sub3A_38 = arith.constant 1 : i32
    %sub3A_39 = arith.subi %div3A_18, %sub3A_38 : i32
    %select_n3A_40 = arith.select %and3A_37, %sub3A_39, %div3A_18 : i32
    %jit3A_41 = arith.constant 2 : i32
    %eq3A = arith.constant 0 : i32
    %eq3A_42 = arith.cmpi eq, %jit3A_41, %eq3A : i32
    %jit3A_43 = arith.constant 1 : i32
    %select_n3A_44 = arith.select %eq3A_42, %jit3A_43, %jit3A_41 : i32
    %rem3A_45 = arith.remsi %select_n3A, %select_n3A_44 : i32
    %ne3A_46 = arith.constant 0 : i32
    %ne3A_47 = arith.cmpi ne, %rem3A_45, %ne3A_46 : i32
    %lt3A = arith.constant 0 : i32
    %lt3A_48 = arith.cmpi slt, %rem3A_45, %lt3A : i32
    %lt3A_49 = arith.constant 0 : i32
    %lt3A_50 = arith.cmpi slt, %select_n3A_44, %lt3A_49 : i32
    %ne3A_51 = arith.xori %lt3A_48, %lt3A_50 : i1
    %and3A_52 = arith.andi %ne3A_51, %ne3A_47 : i1
    %add3A_53 = arith.addi %rem3A_45, %select_n3A_44 : i32
    %select_n3A_54 = arith.select %and3A_52, %add3A_53, %rem3A_45 : i32
    %jit3A_55 = arith.constant 8 : i32
    %eq3A_56 = arith.constant 0 : i32
    %eq3A_57 = arith.cmpi eq, %jit3A_55, %eq3A_56 : i32
    %jit3A_58 = arith.constant 1 : i32
    %select_n3A_59 = arith.select %eq3A_57, %jit3A_58, %jit3A_55 : i32
    %rem3A_60 = arith.remsi %add3A, %select_n3A_59 : i32
    %ne3A_61 = arith.constant 0 : i32
    %ne3A_62 = arith.cmpi ne, %rem3A_60, %ne3A_61 : i32
    %lt3A_63 = arith.constant 0 : i32
    %lt3A_64 = arith.cmpi slt, %rem3A_60, %lt3A_63 : i32
    %lt3A_65 = arith.constant 0 : i32
    %lt3A_66 = arith.cmpi slt, %select_n3A_59, %lt3A_65 : i32
    %ne3A_67 = arith.xori %lt3A_64, %lt3A_66 : i1
    %and3A_68 = arith.andi %ne3A_67, %ne3A_62 : i1
    %add3A_69 = arith.addi %rem3A_60, %select_n3A_59 : i32
    %select_n3A_70 = arith.select %and3A_68, %add3A_69, %rem3A_60 : i32
    %mul3A_71 = arith.constant 512 : i32
    %mul3A_72 = arith.muli %select_n3A_70, %mul3A_71 : i32
    %dma_start3A = tpu.memref_slice %arg4[%select_n3A_40, %mul3A_72] : memref<2x4096xi32, #tpu.memory_space<hbm>> -> memref<1x512xi32, #tpu.memory_space<hbm>>
    %dma_start3A_73 = tpu.memref_squeeze %dma_start3A : memref<1x512xi32, #tpu.memory_space<hbm>> -> memref<512xi32, #tpu.memory_space<hbm>>
    %dma_start3A_74 = tpu.memref_slice %arg4[%select_n3A_40, %mul3A_72] : memref<2x4096xi32, #tpu.memory_space<hbm>> -> memref<1x512xi32, #tpu.memory_space<hbm>>
    %dma_start3A_75 = tpu.memref_squeeze %dma_start3A_74 : memref<1x512xi32, #tpu.memory_space<hbm>> -> memref<512xi32, #tpu.memory_space<hbm>>
    tpu.enqueue_dma source(%dma_start3A_75 : memref<512xi32, #tpu.memory_space<hbm>>) target(%arg9 : memref<512xi32, #tpu.memory_space<vmem>>) target_semaphore(%arg10 : memref<!tpu.dma_semaphore, #tpu.memory_space<semaphore_mem>>)
    "tpu.region"() ({
      %run_scoped3A_345 = tpu.sem_alloc : memref<!tpu.dma_semaphore, #tpu.memory_space<semaphore_mem>>
      %dma_start3A_346 = arith.constant 0 : i32
      %dma_start3A_347 = tpu.memref_slice %arg3[%select_n3A, %dma_start3A_346] : memref<4x16xi32, #tpu.memory_space<hbm>> -> memref<1x16xi32, #tpu.memory_space<hbm>>
      %dma_start3A_348 = tpu.memref_squeeze %dma_start3A_347 : memref<1x16xi32, #tpu.memory_space<hbm>> -> memref<16xi32, #tpu.memory_space<hbm>>
      %dma_start3A_349 = arith.constant 0 : i32
      %dma_start3A_350 = tpu.memref_slice %arg3[%select_n3A, %dma_start3A_349] : memref<4x16xi32, #tpu.memory_space<hbm>> -> memref<1x16xi32, #tpu.memory_space<hbm>>
      %dma_start3A_351 = tpu.memref_squeeze %dma_start3A_350 : memref<1x16xi32, #tpu.memory_space<hbm>> -> memref<16xi32, #tpu.memory_space<hbm>>
      tpu.enqueue_dma source(%dma_start3A_351 : memref<16xi32, #tpu.memory_space<hbm>>) target(%arg8 : memref<16xi32, #tpu.memory_space<vmem>>) target_semaphore(%run_scoped3A_345 : memref<!tpu.dma_semaphore, #tpu.memory_space<semaphore_mem>>)
      %dma_wait3A_352 = arith.constant 0 : i32
      %dma_wait3A_353 = tpu.memref_slice %arg3[%select_n3A, %dma_wait3A_352] : memref<4x16xi32, #tpu.memory_space<hbm>> -> memref<1x16xi32, #tpu.memory_space<hbm>>
      %dma_wait3A_354 = tpu.memref_squeeze %dma_wait3A_353 : memref<1x16xi32, #tpu.memory_space<hbm>> -> memref<16xi32, #tpu.memory_space<hbm>>
      %dma_wait3A_355 = arith.constant 0 : i32
      %dma_wait3A_356 = tpu.memref_slice %arg3[%select_n3A, %dma_wait3A_355] : memref<4x16xi32, #tpu.memory_space<hbm>> -> memref<1x16xi32, #tpu.memory_space<hbm>>
      %dma_wait3A_357 = tpu.memref_squeeze %dma_wait3A_356 : memref<1x16xi32, #tpu.memory_space<hbm>> -> memref<16xi32, #tpu.memory_space<hbm>>
      tpu.wait_dma2 semaphore(%run_scoped3A_345 : memref<!tpu.dma_semaphore, #tpu.memory_space<semaphore_mem>>) src(%dma_wait3A_357 : memref<16xi32, #tpu.memory_space<hbm>>) dst(%arg8 : memref<16xi32, #tpu.memory_space<vmem>>)
      tpu.yield
    }) : () -> ()
    %get3A = arith.constant 0 : index
    %get3A_76 = tpu.vector_load %arg8[%get3A] {strides = array<i32>} : memref<16xi32, #tpu.memory_space<vmem>>, vector<16xi32>,
    %get3A_77 = vector.shape_cast %get3A_76 : vector<16xi32> to vector<16xi32>
    %mul3A_78 = arith.constant 49152 : i32
    %mul3A_79 = vector.broadcast %mul3A_78 : i32 to vector<16xi32>
    %mul3A_80 = arith.muli %get3A_77, %mul3A_79 : vector<16xi32>
    %dma_wait3A = tpu.memref_slice %arg4[%select_n3A_40, %mul3A_72] : memref<2x4096xi32, #tpu.memory_space<hbm>> -> memref<1x512xi32, #tpu.memory_space<hbm>>
    %dma_wait3A_81 = tpu.memref_squeeze %dma_wait3A : memref<1x512xi32, #tpu.memory_space<hbm>> -> memref<512xi32, #tpu.memory_space<hbm>>
    %dma_wait3A_82 = tpu.memref_slice %arg4[%select_n3A_40, %mul3A_72] : memref<2x4096xi32, #tpu.memory_space<hbm>> -> memref<1x512xi32, #tpu.memory_space<hbm>>
    %dma_wait3A_83 = tpu.memref_squeeze %dma_wait3A_82 : memref<1x512xi32, #tpu.memory_space<hbm>> -> memref<512xi32, #tpu.memory_space<hbm>>
    tpu.wait_dma2 semaphore(%arg10 : memref<!tpu.dma_semaphore, #tpu.memory_space<semaphore_mem>>) src(%dma_wait3A_83 : memref<512xi32, #tpu.memory_space<hbm>>) dst(%arg9 : memref<512xi32, #tpu.memory_space<vmem>>)
    %get3A_84 = arith.constant 0 : index
    %get3A_85 = tpu.vector_load %arg9[%get3A_84] {strides = array<i32>} : memref<512xi32, #tpu.memory_space<vmem>>, vector<16xi32>,
    %get3A_86 = vector.shape_cast %get3A_85 : vector<16xi32> to vector<16xi32>
    %add3A_87 = arith.addi %get3A_86, %mul3A_80 : vector<16xi32>
    %swap3A = arith.constant 0 : index
    %swap3A_88 = tpu.vector_load %arg6[%swap3A] {strides = array<i32>} : memref<512xi32, #tpu.memory_space<vmem>>, vector<16xi32>,
    %swap3A_89 = vector.shape_cast %swap3A_88 : vector<16xi32> to vector<16xi32>
    %swap3A_90 = vector.shape_cast %add3A_87 : vector<16xi32> to vector<16xi32>
    tpu.vector_store %arg6[%swap3A], %swap3A_90 {strides = array<i32>} : memref<512xi32, #tpu.memory_space<vmem>>, vector<16xi32>,
    %get3A_91 = arith.constant 16 : index
    %get3A_92 = tpu.vector_load %arg9[%get3A_91] {strides = array<i32>} : memref<512xi32, #tpu.memory_space<vmem>>, vector<16xi32>,
    %get3A_93 = vector.shape_cast %get3A_92 : vector<16xi32> to vector<16xi32>
    %add3A_94 = arith.addi %get3A_93, %mul3A_80 : vector<16xi32>
    %swap3A_95 = arith.constant 16 : index
    %swap3A_96 = tpu.vector_load %arg6[%swap3A_95] {strides = array<i32>} : memref<512xi32, #tpu.memory_space<vmem>>, vector<16xi32>,
    %swap3A_97 = vector.shape_cast %swap3A_96 : vector<16xi32> to vector<16xi32>
    %swap3A_98 = vector.shape_cast %add3A_94 : vector<16xi32> to vector<16xi32>
    tpu.vector_store %arg6[%swap3A_95], %swap3A_98 {strides = array<i32>} : memref<512xi32, #tpu.memory_space<vmem>>, vector<16xi32>,
    %get3A_99 = arith.constant 32 : index
    %get3A_100 = tpu.vector_load %arg9[%get3A_99] {strides = array<i32>} : memref<512xi32, #tpu.memory_space<vmem>>, vector<16xi32>,
    %get3A_101 = vector.shape_cast %get3A_100 : vector<16xi32> to vector<16xi32>
    %add3A_102 = arith.addi %get3A_101, %mul3A_80 : vector<16xi32>
    %swap3A_103 = arith.constant 32 : index
    %swap3A_104 = tpu.vector_load %arg6[%swap3A_103] {strides = array<i32>} : memref<512xi32, #tpu.memory_space<vmem>>, vector<16xi32>,
    %swap3A_105 = vector.shape_cast %swap3A_104 : vector<16xi32> to vector<16xi32>
    %swap3A_106 = vector.shape_cast %add3A_102 : vector<16xi32> to vector<16xi32>
    tpu.vector_store %arg6[%swap3A_103], %swap3A_106 {strides = array<i32>} : memref<512xi32, #tpu.memory_space<vmem>>, vector<16xi32>,
    %get3A_107 = arith.constant 48 : index
    %get3A_108 = tpu.vector_load %arg9[%get3A_107] {strides = array<i32>} : memref<512xi32, #tpu.memory_space<vmem>>, vector<16xi32>,
    %get3A_109 = vector.shape_cast %get3A_108 : vector<16xi32> to vector<16xi32>
    %add3A_110 = arith.addi %get3A_109, %mul3A_80 : vector<16xi32>
    %swap3A_111 = arith.constant 48 : index
    %swap3A_112 = tpu.vector_load %arg6[%swap3A_111] {strides = array<i32>} : memref<512xi32, #tpu.memory_space<vmem>>, vector<16xi32>,
    %swap3A_113 = vector.shape_cast %swap3A_112 : vector<16xi32> to vector<16xi32>
    %swap3A_114 = vector.shape_cast %add3A_110 : vector<16xi32> to vector<16xi32>
    tpu.vector_store %arg6[%swap3A_111], %swap3A_114 {strides = array<i32>} : memref<512xi32, #tpu.memory_space<vmem>>, vector<16xi32>,
    %get3A_115 = arith.constant 64 : index
    %get3A_116 = tpu.vector_load %arg9[%get3A_115] {strides = array<i32>} : memref<512xi32, #tpu.memory_space<vmem>>, vector<16xi32>,
    %get3A_117 = vector.shape_cast %get3A_116 : vector<16xi32> to vector<16xi32>
    %add3A_118 = arith.addi %get3A_117, %mul3A_80 : vector<16xi32>
    %swap3A_119 = arith.constant 64 : index
    %swap3A_120 = tpu.vector_load %arg6[%swap3A_119] {strides = array<i32>} : memref<512xi32, #tpu.memory_space<vmem>>, vector<16xi32>,
    %swap3A_121 = vector.shape_cast %swap3A_120 : vector<16xi32> to vector<16xi32>
    %swap3A_122 = vector.shape_cast %add3A_118 : vector<16xi32> to vector<16xi32>
    tpu.vector_store %arg6[%swap3A_119], %swap3A_122 {strides = array<i32>} : memref<512xi32, #tpu.memory_space<vmem>>, vector<16xi32>,
    %get3A_123 = arith.constant 80 : index
    %get3A_124 = tpu.vector_load %arg9[%get3A_123] {strides = array<i32>} : memref<512xi32, #tpu.memory_space<vmem>>, vector<16xi32>,
    %get3A_125 = vector.shape_cast %get3A_124 : vector<16xi32> to vector<16xi32>
    %add3A_126 = arith.addi %get3A_125, %mul3A_80 : vector<16xi32>
    %swap3A_127 = arith.constant 80 : index
    %swap3A_128 = tpu.vector_load %arg6[%swap3A_127] {strides = array<i32>} : memref<512xi32, #tpu.memory_space<vmem>>, vector<16xi32>,
    %swap3A_129 = vector.shape_cast %swap3A_128 : vector<16xi32> to vector<16xi32>
    %swap3A_130 = vector.shape_cast %add3A_126 : vector<16xi32> to vector<16xi32>
    tpu.vector_store %arg6[%swap3A_127], %swap3A_130 {strides = array<i32>} : memref<512xi32, #tpu.memory_space<vmem>>, vector<16xi32>,
    %get3A_131 = arith.constant 96 : index
    %get3A_132 = tpu.vector_load %arg9[%get3A_131] {strides = array<i32>} : memref<512xi32, #tpu.memory_space<vmem>>, vector<16xi32>,
    %get3A_133 = vector.shape_cast %get3A_132 : vector<16xi32> to vector<16xi32>
    %add3A_134 = arith.addi %get3A_133, %mul3A_80 : vector<16xi32>
    %swap3A_135 = arith.constant 96 : index
    %swap3A_136 = tpu.vector_load %arg6[%swap3A_135] {strides = array<i32>} : memref<512xi32, #tpu.memory_space<vmem>>, vector<16xi32>,
    %swap3A_137 = vector.shape_cast %swap3A_136 : vector<16xi32> to vector<16xi32>
    %swap3A_138 = vector.shape_cast %add3A_134 : vector<16xi32> to vector<16xi32>
    tpu.vector_store %arg6[%swap3A_135], %swap3A_138 {strides = array<i32>} : memref<512xi32, #tpu.memory_space<vmem>>, vector<16xi32>,
    %get3A_139 = arith.constant 112 : index
    %get3A_140 = tpu.vector_load %arg9[%get3A_139] {strides = array<i32>} : memref<512xi32, #tpu.memory_space<vmem>>, vector<16xi32>,
    %get3A_141 = vector.shape_cast %get3A_140 : vector<16xi32> to vector<16xi32>
    %add3A_142 = arith.addi %get3A_141, %mul3A_80 : vector<16xi32>
    %swap3A_143 = arith.constant 112 : index
    %swap3A_144 = tpu.vector_load %arg6[%swap3A_143] {strides = array<i32>} : memref<512xi32, #tpu.memory_space<vmem>>, vector<16xi32>,
    %swap3A_145 = vector.shape_cast %swap3A_144 : vector<16xi32> to vector<16xi32>
    %swap3A_146 = vector.shape_cast %add3A_142 : vector<16xi32> to vector<16xi32>
    tpu.vector_store %arg6[%swap3A_143], %swap3A_146 {strides = array<i32>} : memref<512xi32, #tpu.memory_space<vmem>>, vector<16xi32>,
    %get3A_147 = arith.constant 128 : index
    %get3A_148 = tpu.vector_load %arg9[%get3A_147] {strides = array<i32>} : memref<512xi32, #tpu.memory_space<vmem>>, vector<16xi32>,
    %get3A_149 = vector.shape_cast %get3A_148 : vector<16xi32> to vector<16xi32>
    %add3A_150 = arith.addi %get3A_149, %mul3A_80 : vector<16xi32>
    %swap3A_151 = arith.constant 128 : index
    %swap3A_152 = tpu.vector_load %arg6[%swap3A_151] {strides = array<i32>} : memref<512xi32, #tpu.memory_space<vmem>>, vector<16xi32>,
    %swap3A_153 = vector.shape_cast %swap3A_152 : vector<16xi32> to vector<16xi32>
    %swap3A_154 = vector.shape_cast %add3A_150 : vector<16xi32> to vector<16xi32>
    tpu.vector_store %arg6[%swap3A_151], %swap3A_154 {strides = array<i32>} : memref<512xi32, #tpu.memory_space<vmem>>, vector<16xi32>,
    %get3A_155 = arith.constant 144 : index
    %get3A_156 = tpu.vector_load %arg9[%get3A_155] {strides = array<i32>} : memref<512xi32, #tpu.memory_space<vmem>>, vector<16xi32>,
    %get3A_157 = vector.shape_cast %get3A_156 : vector<16xi32> to vector<16xi32>
    %add3A_158 = arith.addi %get3A_157, %mul3A_80 : vector<16xi32>
    %swap3A_159 = arith.constant 144 : index
    %swap3A_160 = tpu.vector_load %arg6[%swap3A_159] {strides = array<i32>} : memref<512xi32, #tpu.memory_space<vmem>>, vector<16xi32>,
    %swap3A_161 = vector.shape_cast %swap3A_160 : vector<16xi32> to vector<16xi32>
    %swap3A_162 = vector.shape_cast %add3A_158 : vector<16xi32> to vector<16xi32>
    tpu.vector_store %arg6[%swap3A_159], %swap3A_162 {strides = array<i32>} : memref<512xi32, #tpu.memory_space<vmem>>, vector<16xi32>,
    %get3A_163 = arith.constant 160 : index
    %get3A_164 = tpu.vector_load %arg9[%get3A_163] {strides = array<i32>} : memref<512xi32, #tpu.memory_space<vmem>>, vector<16xi32>,
    %get3A_165 = vector.shape_cast %get3A_164 : vector<16xi32> to vector<16xi32>
    %add3A_166 = arith.addi %get3A_165, %mul3A_80 : vector<16xi32>
    %swap3A_167 = arith.constant 160 : index
    %swap3A_168 = tpu.vector_load %arg6[%swap3A_167] {strides = array<i32>} : memref<512xi32, #tpu.memory_space<vmem>>, vector<16xi32>,
    %swap3A_169 = vector.shape_cast %swap3A_168 : vector<16xi32> to vector<16xi32>
    %swap3A_170 = vector.shape_cast %add3A_166 : vector<16xi32> to vector<16xi32>
    tpu.vector_store %arg6[%swap3A_167], %swap3A_170 {strides = array<i32>} : memref<512xi32, #tpu.memory_space<vmem>>, vector<16xi32>,
    %get3A_171 = arith.constant 176 : index
    %get3A_172 = tpu.vector_load %arg9[%get3A_171] {strides = array<i32>} : memref<512xi32, #tpu.memory_space<vmem>>, vector<16xi32>,
    %get3A_173 = vector.shape_cast %get3A_172 : vector<16xi32> to vector<16xi32>
    %add3A_174 = arith.addi %get3A_173, %mul3A_80 : vector<16xi32>
    %swap3A_175 = arith.constant 176 : index
    %swap3A_176 = tpu.vector_load %arg6[%swap3A_175] {strides = array<i32>} : memref<512xi32, #tpu.memory_space<vmem>>, vector<16xi32>,
    %swap3A_177 = vector.shape_cast %swap3A_176 : vector<16xi32> to vector<16xi32>
    %swap3A_178 = vector.shape_cast %add3A_174 : vector<16xi32> to vector<16xi32>
    tpu.vector_store %arg6[%swap3A_175], %swap3A_178 {strides = array<i32>} : memref<512xi32, #tpu.memory_space<vmem>>, vector<16xi32>,
    %get3A_179 = arith.constant 192 : index
    %get3A_180 = tpu.vector_load %arg9[%get3A_179] {strides = array<i32>} : memref<512xi32, #tpu.memory_space<vmem>>, vector<16xi32>,
    %get3A_181 = vector.shape_cast %get3A_180 : vector<16xi32> to vector<16xi32>
    %add3A_182 = arith.addi %get3A_181, %mul3A_80 : vector<16xi32>
    %swap3A_183 = arith.constant 192 : index
    %swap3A_184 = tpu.vector_load %arg6[%swap3A_183] {strides = array<i32>} : memref<512xi32, #tpu.memory_space<vmem>>, vector<16xi32>,
    %swap3A_185 = vector.shape_cast %swap3A_184 : vector<16xi32> to vector<16xi32>
    %swap3A_186 = vector.shape_cast %add3A_182 : vector<16xi32> to vector<16xi32>
    tpu.vector_store %arg6[%swap3A_183], %swap3A_186 {strides = array<i32>} : memref<512xi32, #tpu.memory_space<vmem>>, vector<16xi32>,
    %get3A_187 = arith.constant 208 : index
    %get3A_188 = tpu.vector_load %arg9[%get3A_187] {strides = array<i32>} : memref<512xi32, #tpu.memory_space<vmem>>, vector<16xi32>,
    %get3A_189 = vector.shape_cast %get3A_188 : vector<16xi32> to vector<16xi32>
    %add3A_190 = arith.addi %get3A_189, %mul3A_80 : vector<16xi32>
    %swap3A_191 = arith.constant 208 : index
    %swap3A_192 = tpu.vector_load %arg6[%swap3A_191] {strides = array<i32>} : memref<512xi32, #tpu.memory_space<vmem>>, vector<16xi32>,
    %swap3A_193 = vector.shape_cast %swap3A_192 : vector<16xi32> to vector<16xi32>
    %swap3A_194 = vector.shape_cast %add3A_190 : vector<16xi32> to vector<16xi32>
    tpu.vector_store %arg6[%swap3A_191], %swap3A_194 {strides = array<i32>} : memref<512xi32, #tpu.memory_space<vmem>>, vector<16xi32>,
    %get3A_195 = arith.constant 224 : index
    %get3A_196 = tpu.vector_load %arg9[%get3A_195] {strides = array<i32>} : memref<512xi32, #tpu.memory_space<vmem>>, vector<16xi32>,
    %get3A_197 = vector.shape_cast %get3A_196 : vector<16xi32> to vector<16xi32>
    %add3A_198 = arith.addi %get3A_197, %mul3A_80 : vector<16xi32>
    %swap3A_199 = arith.constant 224 : index
    %swap3A_200 = tpu.vector_load %arg6[%swap3A_199] {strides = array<i32>} : memref<512xi32, #tpu.memory_space<vmem>>, vector<16xi32>,
    %swap3A_201 = vector.shape_cast %swap3A_200 : vector<16xi32> to vector<16xi32>
    %swap3A_202 = vector.shape_cast %add3A_198 : vector<16xi32> to vector<16xi32>
    tpu.vector_store %arg6[%swap3A_199], %swap3A_202 {strides = array<i32>} : memref<512xi32, #tpu.memory_space<vmem>>, vector<16xi32>,
    %get3A_203 = arith.constant 240 : index
    %get3A_204 = tpu.vector_load %arg9[%get3A_203] {strides = array<i32>} : memref<512xi32, #tpu.memory_space<vmem>>, vector<16xi32>,
    %get3A_205 = vector.shape_cast %get3A_204 : vector<16xi32> to vector<16xi32>
    %add3A_206 = arith.addi %get3A_205, %mul3A_80 : vector<16xi32>
    %swap3A_207 = arith.constant 240 : index
    %swap3A_208 = tpu.vector_load %arg6[%swap3A_207] {strides = array<i32>} : memref<512xi32, #tpu.memory_space<vmem>>, vector<16xi32>,
    %swap3A_209 = vector.shape_cast %swap3A_208 : vector<16xi32> to vector<16xi32>
    %swap3A_210 = vector.shape_cast %add3A_206 : vector<16xi32> to vector<16xi32>
    tpu.vector_store %arg6[%swap3A_207], %swap3A_210 {strides = array<i32>} : memref<512xi32, #tpu.memory_space<vmem>>, vector<16xi32>,
    %get3A_211 = arith.constant 256 : index
    %get3A_212 = tpu.vector_load %arg9[%get3A_211] {strides = array<i32>} : memref<512xi32, #tpu.memory_space<vmem>>, vector<16xi32>,
    %get3A_213 = vector.shape_cast %get3A_212 : vector<16xi32> to vector<16xi32>
    %add3A_214 = arith.addi %get3A_213, %mul3A_80 : vector<16xi32>
    %swap3A_215 = arith.constant 256 : index
    %swap3A_216 = tpu.vector_load %arg6[%swap3A_215] {strides = array<i32>} : memref<512xi32, #tpu.memory_space<vmem>>, vector<16xi32>,
    %swap3A_217 = vector.shape_cast %swap3A_216 : vector<16xi32> to vector<16xi32>
    %swap3A_218 = vector.shape_cast %add3A_214 : vector<16xi32> to vector<16xi32>
    tpu.vector_store %arg6[%swap3A_215], %swap3A_218 {strides = array<i32>} : memref<512xi32, #tpu.memory_space<vmem>>, vector<16xi32>,
    %get3A_219 = arith.constant 272 : index
    %get3A_220 = tpu.vector_load %arg9[%get3A_219] {strides = array<i32>} : memref<512xi32, #tpu.memory_space<vmem>>, vector<16xi32>,
    %get3A_221 = vector.shape_cast %get3A_220 : vector<16xi32> to vector<16xi32>
    %add3A_222 = arith.addi %get3A_221, %mul3A_80 : vector<16xi32>
    %swap3A_223 = arith.constant 272 : index
    %swap3A_224 = tpu.vector_load %arg6[%swap3A_223] {strides = array<i32>} : memref<512xi32, #tpu.memory_space<vmem>>, vector<16xi32>,
    %swap3A_225 = vector.shape_cast %swap3A_224 : vector<16xi32> to vector<16xi32>
    %swap3A_226 = vector.shape_cast %add3A_222 : vector<16xi32> to vector<16xi32>
    tpu.vector_store %arg6[%swap3A_223], %swap3A_226 {strides = array<i32>} : memref<512xi32, #tpu.memory_space<vmem>>, vector<16xi32>,
    %get3A_227 = arith.constant 288 : index
    %get3A_228 = tpu.vector_load %arg9[%get3A_227] {strides = array<i32>} : memref<512xi32, #tpu.memory_space<vmem>>, vector<16xi32>,
    %get3A_229 = vector.shape_cast %get3A_228 : vector<16xi32> to vector<16xi32>
    %add3A_230 = arith.addi %get3A_229, %mul3A_80 : vector<16xi32>
    %swap3A_231 = arith.constant 288 : index
    %swap3A_232 = tpu.vector_load %arg6[%swap3A_231] {strides = array<i32>} : memref<512xi32, #tpu.memory_space<vmem>>, vector<16xi32>,
    %swap3A_233 = vector.shape_cast %swap3A_232 : vector<16xi32> to vector<16xi32>
    %swap3A_234 = vector.shape_cast %add3A_230 : vector<16xi32> to vector<16xi32>
    tpu.vector_store %arg6[%swap3A_231], %swap3A_234 {strides = array<i32>} : memref<512xi32, #tpu.memory_space<vmem>>, vector<16xi32>,
    %get3A_235 = arith.constant 304 : index
    %get3A_236 = tpu.vector_load %arg9[%get3A_235] {strides = array<i32>} : memref<512xi32, #tpu.memory_space<vmem>>, vector<16xi32>,
    %get3A_237 = vector.shape_cast %get3A_236 : vector<16xi32> to vector<16xi32>
    %add3A_238 = arith.addi %get3A_237, %mul3A_80 : vector<16xi32>
    %swap3A_239 = arith.constant 304 : index
    %swap3A_240 = tpu.vector_load %arg6[%swap3A_239] {strides = array<i32>} : memref<512xi32, #tpu.memory_space<vmem>>, vector<16xi32>,
    %swap3A_241 = vector.shape_cast %swap3A_240 : vector<16xi32> to vector<16xi32>
    %swap3A_242 = vector.shape_cast %add3A_238 : vector<16xi32> to vector<16xi32>
    tpu.vector_store %arg6[%swap3A_239], %swap3A_242 {strides = array<i32>} : memref<512xi32, #tpu.memory_space<vmem>>, vector<16xi32>,
    %get3A_243 = arith.constant 320 : index
    %get3A_244 = tpu.vector_load %arg9[%get3A_243] {strides = array<i32>} : memref<512xi32, #tpu.memory_space<vmem>>, vector<16xi32>,
    %get3A_245 = vector.shape_cast %get3A_244 : vector<16xi32> to vector<16xi32>
    %add3A_246 = arith.addi %get3A_245, %mul3A_80 : vector<16xi32>
    %swap3A_247 = arith.constant 320 : index
    %swap3A_248 = tpu.vector_load %arg6[%swap3A_247] {strides = array<i32>} : memref<512xi32, #tpu.memory_space<vmem>>, vector<16xi32>,
    %swap3A_249 = vector.shape_cast %swap3A_248 : vector<16xi32> to vector<16xi32>
    %swap3A_250 = vector.shape_cast %add3A_246 : vector<16xi32> to vector<16xi32>
    tpu.vector_store %arg6[%swap3A_247], %swap3A_250 {strides = array<i32>} : memref<512xi32, #tpu.memory_space<vmem>>, vector<16xi32>,
    %get3A_251 = arith.constant 336 : index
    %get3A_252 = tpu.vector_load %arg9[%get3A_251] {strides = array<i32>} : memref<512xi32, #tpu.memory_space<vmem>>, vector<16xi32>,
    %get3A_253 = vector.shape_cast %get3A_252 : vector<16xi32> to vector<16xi32>
    %add3A_254 = arith.addi %get3A_253, %mul3A_80 : vector<16xi32>
    %swap3A_255 = arith.constant 336 : index
    %swap3A_256 = tpu.vector_load %arg6[%swap3A_255] {strides = array<i32>} : memref<512xi32, #tpu.memory_space<vmem>>, vector<16xi32>,
    %swap3A_257 = vector.shape_cast %swap3A_256 : vector<16xi32> to vector<16xi32>
    %swap3A_258 = vector.shape_cast %add3A_254 : vector<16xi32> to vector<16xi32>
    tpu.vector_store %arg6[%swap3A_255], %swap3A_258 {strides = array<i32>} : memref<512xi32, #tpu.memory_space<vmem>>, vector<16xi32>,
    %get3A_259 = arith.constant 352 : index
    %get3A_260 = tpu.vector_load %arg9[%get3A_259] {strides = array<i32>} : memref<512xi32, #tpu.memory_space<vmem>>, vector<16xi32>,
    %get3A_261 = vector.shape_cast %get3A_260 : vector<16xi32> to vector<16xi32>
    %add3A_262 = arith.addi %get3A_261, %mul3A_80 : vector<16xi32>
    %swap3A_263 = arith.constant 352 : index
    %swap3A_264 = tpu.vector_load %arg6[%swap3A_263] {strides = array<i32>} : memref<512xi32, #tpu.memory_space<vmem>>, vector<16xi32>,
    %swap3A_265 = vector.shape_cast %swap3A_264 : vector<16xi32> to vector<16xi32>
    %swap3A_266 = vector.shape_cast %add3A_262 : vector<16xi32> to vector<16xi32>
    tpu.vector_store %arg6[%swap3A_263], %swap3A_266 {strides = array<i32>} : memref<512xi32, #tpu.memory_space<vmem>>, vector<16xi32>,
    %get3A_267 = arith.constant 368 : index
    %get3A_268 = tpu.vector_load %arg9[%get3A_267] {strides = array<i32>} : memref<512xi32, #tpu.memory_space<vmem>>, vector<16xi32>,
    %get3A_269 = vector.shape_cast %get3A_268 : vector<16xi32> to vector<16xi32>
    %add3A_270 = arith.addi %get3A_269, %mul3A_80 : vector<16xi32>
    %swap3A_271 = arith.constant 368 : index
    %swap3A_272 = tpu.vector_load %arg6[%swap3A_271] {strides = array<i32>} : memref<512xi32, #tpu.memory_space<vmem>>, vector<16xi32>,
    %swap3A_273 = vector.shape_cast %swap3A_272 : vector<16xi32> to vector<16xi32>
    %swap3A_274 = vector.shape_cast %add3A_270 : vector<16xi32> to vector<16xi32>
    tpu.vector_store %arg6[%swap3A_271], %swap3A_274 {strides = array<i32>} : memref<512xi32, #tpu.memory_space<vmem>>, vector<16xi32>,
    %get3A_275 = arith.constant 384 : index
    %get3A_276 = tpu.vector_load %arg9[%get3A_275] {strides = array<i32>} : memref<512xi32, #tpu.memory_space<vmem>>, vector<16xi32>,
    %get3A_277 = vector.shape_cast %get3A_276 : vector<16xi32> to vector<16xi32>
    %add3A_278 = arith.addi %get3A_277, %mul3A_80 : vector<16xi32>
    %swap3A_279 = arith.constant 384 : index
    %swap3A_280 = tpu.vector_load %arg6[%swap3A_279] {strides = array<i32>} : memref<512xi32, #tpu.memory_space<vmem>>, vector<16xi32>,
    %swap3A_281 = vector.shape_cast %swap3A_280 : vector<16xi32> to vector<16xi32>
    %swap3A_282 = vector.shape_cast %add3A_278 : vector<16xi32> to vector<16xi32>
    tpu.vector_store %arg6[%swap3A_279], %swap3A_282 {strides = array<i32>} : memref<512xi32, #tpu.memory_space<vmem>>, vector<16xi32>,
    %get3A_283 = arith.constant 400 : index
    %get3A_284 = tpu.vector_load %arg9[%get3A_283] {strides = array<i32>} : memref<512xi32, #tpu.memory_space<vmem>>, vector<16xi32>,
    %get3A_285 = vector.shape_cast %get3A_284 : vector<16xi32> to vector<16xi32>
    %add3A_286 = arith.addi %get3A_285, %mul3A_80 : vector<16xi32>
    %swap3A_287 = arith.constant 400 : index
    %swap3A_288 = tpu.vector_load %arg6[%swap3A_287] {strides = array<i32>} : memref<512xi32, #tpu.memory_space<vmem>>, vector<16xi32>,
    %swap3A_289 = vector.shape_cast %swap3A_288 : vector<16xi32> to vector<16xi32>
    %swap3A_290 = vector.shape_cast %add3A_286 : vector<16xi32> to vector<16xi32>
    tpu.vector_store %arg6[%swap3A_287], %swap3A_290 {strides = array<i32>} : memref<512xi32, #tpu.memory_space<vmem>>, vector<16xi32>,
    %get3A_291 = arith.constant 416 : index
    %get3A_292 = tpu.vector_load %arg9[%get3A_291] {strides = array<i32>} : memref<512xi32, #tpu.memory_space<vmem>>, vector<16xi32>,
    %get3A_293 = vector.shape_cast %get3A_292 : vector<16xi32> to vector<16xi32>
    %add3A_294 = arith.addi %get3A_293, %mul3A_80 : vector<16xi32>
    %swap3A_295 = arith.constant 416 : index
    %swap3A_296 = tpu.vector_load %arg6[%swap3A_295] {strides = array<i32>} : memref<512xi32, #tpu.memory_space<vmem>>, vector<16xi32>,
    %swap3A_297 = vector.shape_cast %swap3A_296 : vector<16xi32> to vector<16xi32>
    %swap3A_298 = vector.shape_cast %add3A_294 : vector<16xi32> to vector<16xi32>
    tpu.vector_store %arg6[%swap3A_295], %swap3A_298 {strides = array<i32>} : memref<512xi32, #tpu.memory_space<vmem>>, vector<16xi32>,
    %get3A_299 = arith.constant 432 : index
    %get3A_300 = tpu.vector_load %arg9[%get3A_299] {strides = array<i32>} : memref<512xi32, #tpu.memory_space<vmem>>, vector<16xi32>,
    %get3A_301 = vector.shape_cast %get3A_300 : vector<16xi32> to vector<16xi32>
    %add3A_302 = arith.addi %get3A_301, %mul3A_80 : vector<16xi32>
    %swap3A_303 = arith.constant 432 : index
    %swap3A_304 = tpu.vector_load %arg6[%swap3A_303] {strides = array<i32>} : memref<512xi32, #tpu.memory_space<vmem>>, vector<16xi32>,
    %swap3A_305 = vector.shape_cast %swap3A_304 : vector<16xi32> to vector<16xi32>
    %swap3A_306 = vector.shape_cast %add3A_302 : vector<16xi32> to vector<16xi32>
    tpu.vector_store %arg6[%swap3A_303], %swap3A_306 {strides = array<i32>} : memref<512xi32, #tpu.memory_space<vmem>>, vector<16xi32>,
    %get3A_307 = arith.constant 448 : index
    %get3A_308 = tpu.vector_load %arg9[%get3A_307] {strides = array<i32>} : memref<512xi32, #tpu.memory_space<vmem>>, vector<16xi32>,
    %get3A_309 = vector.shape_cast %get3A_308 : vector<16xi32> to vector<16xi32>
    %add3A_310 = arith.addi %get3A_309, %mul3A_80 : vector<16xi32>
    %swap3A_311 = arith.constant 448 : index
    %swap3A_312 = tpu.vector_load %arg6[%swap3A_311] {strides = array<i32>} : memref<512xi32, #tpu.memory_space<vmem>>, vector<16xi32>,
    %swap3A_313 = vector.shape_cast %swap3A_312 : vector<16xi32> to vector<16xi32>
    %swap3A_314 = vector.shape_cast %add3A_310 : vector<16xi32> to vector<16xi32>
    tpu.vector_store %arg6[%swap3A_311], %swap3A_314 {strides = array<i32>} : memref<512xi32, #tpu.memory_space<vmem>>, vector<16xi32>,
    %get3A_315 = arith.constant 464 : index
    %get3A_316 = tpu.vector_load %arg9[%get3A_315] {strides = array<i32>} : memref<512xi32, #tpu.memory_space<vmem>>, vector<16xi32>,
    %get3A_317 = vector.shape_cast %get3A_316 : vector<16xi32> to vector<16xi32>
    %add3A_318 = arith.addi %get3A_317, %mul3A_80 : vector<16xi32>
    %swap3A_319 = arith.constant 464 : index
    %swap3A_320 = tpu.vector_load %arg6[%swap3A_319] {strides = array<i32>} : memref<512xi32, #tpu.memory_space<vmem>>, vector<16xi32>,
    %swap3A_321 = vector.shape_cast %swap3A_320 : vector<16xi32> to vector<16xi32>
    %swap3A_322 = vector.shape_cast %add3A_318 : vector<16xi32> to vector<16xi32>
    tpu.vector_store %arg6[%swap3A_319], %swap3A_322 {strides = array<i32>} : memref<512xi32, #tpu.memory_space<vmem>>, vector<16xi32>,
    %get3A_323 = arith.constant 480 : index
    %get3A_324 = tpu.vector_load %arg9[%get3A_323] {strides = array<i32>} : memref<512xi32, #tpu.memory_space<vmem>>, vector<16xi32>,
    %get3A_325 = vector.shape_cast %get3A_324 : vector<16xi32> to vector<16xi32>
    %add3A_326 = arith.addi %get3A_325, %mul3A_80 : vector<16xi32>
    %swap3A_327 = arith.constant 480 : index
    %swap3A_328 = tpu.vector_load %arg6[%swap3A_327] {strides = array<i32>} : memref<512xi32, #tpu.memory_space<vmem>>, vector<16xi32>,
    %swap3A_329 = vector.shape_cast %swap3A_328 : vector<16xi32> to vector<16xi32>
    %swap3A_330 = vector.shape_cast %add3A_326 : vector<16xi32> to vector<16xi32>
    tpu.vector_store %arg6[%swap3A_327], %swap3A_330 {strides = array<i32>} : memref<512xi32, #tpu.memory_space<vmem>>, vector<16xi32>,
    %get3A_331 = arith.constant 496 : index
    %get3A_332 = tpu.vector_load %arg9[%get3A_331] {strides = array<i32>} : memref<512xi32, #tpu.memory_space<vmem>>, vector<16xi32>,
    %get3A_333 = vector.shape_cast %get3A_332 : vector<16xi32> to vector<16xi32>
    %add3A_334 = arith.addi %get3A_333, %mul3A_80 : vector<16xi32>
    %swap3A_335 = arith.constant 496 : index
    %swap3A_336 = tpu.vector_load %arg6[%swap3A_335] {strides = array<i32>} : memref<512xi32, #tpu.memory_space<vmem>>, vector<16xi32>,
    %swap3A_337 = vector.shape_cast %swap3A_336 : vector<16xi32> to vector<16xi32>
    %swap3A_338 = vector.shape_cast %add3A_334 : vector<16xi32> to vector<16xi32>
    tpu.vector_store %arg6[%swap3A_335], %swap3A_338 {strides = array<i32>} : memref<512xi32, #tpu.memory_space<vmem>>, vector<16xi32>,
    %dma_start3A_339 = arith.constant 0 : i32
    %dma_start3A_340 = arith.constant 0 : i32
    %dma_start3A_341 = tpu.memref_slice %arg2[%dma_start3A_339, %dma_start3A_340] : memref<196608x128xf32, #tpu.memory_space<hbm>> -> memref<196608x128xf32, #tpu.memory_space<hbm>>
    tpu.enqueue_indirect_dma source(%dma_start3A_341 : memref<196608x128xf32, #tpu.memory_space<hbm>>) target(%arg7 : memref<512x128xf32, #tpu.memory_space<vmem>>) offsets(%arg6 : memref<512xi32, #tpu.memory_space<vmem>>) semaphore(%arg10 : memref<!tpu.dma_semaphore, #tpu.memory_space<semaphore_mem>>)
    %dma_wait3A_342 = arith.constant 0 : i32
    %dma_wait3A_343 = arith.constant 0 : i32
    %dma_wait3A_344 = tpu.memref_slice %arg2[%dma_wait3A_342, %dma_wait3A_343] : memref<196608x128xf32, #tpu.memory_space<hbm>> -> memref<196608x128xf32, #tpu.memory_space<hbm>>
    tpu.wait_indirect_dma semaphore(%arg10 : memref<!tpu.dma_semaphore, #tpu.memory_space<semaphore_mem>>) src(%dma_wait3A_344 : memref<196608x128xf32, #tpu.memory_space<hbm>>) dst(%arg7 : memref<512x128xf32, #tpu.memory_space<vmem>>)
    %run_scoped3A = arith.constant 0 : i32
    "tpu.region"() ({
      %run_scoped3A_345 = tpu.sem_alloc : memref<!tpu.dma_semaphore, #tpu.memory_space<semaphore_mem>>
      %dma_start3A_346 = arith.constant 0 : i32
      %dma_start3A_347 = tpu.memref_slice %arg5[%select_n3A_40, %select_n3A_54, %run_scoped3A, %mul3A_72, %dma_start3A_346] : memref<2x2x1x4096x128xf32, #tpu.memory_space<hbm>> -> memref<1x1x1x512x128xf32, #tpu.memory_space<hbm>>
      %dma_start3A_348 = tpu.memref_squeeze %dma_start3A_347 : memref<1x1x1x512x128xf32, #tpu.memory_space<hbm>> -> memref<512x128xf32, #tpu.memory_space<hbm>>
      %dma_start3A_349 = arith.constant 0 : i32
      %dma_start3A_350 = tpu.memref_slice %arg5[%select_n3A_40, %select_n3A_54, %run_scoped3A, %mul3A_72, %dma_start3A_349] : memref<2x2x1x4096x128xf32, #tpu.memory_space<hbm>> -> memref<1x1x1x512x128xf32, #tpu.memory_space<hbm>>
      %dma_start3A_351 = tpu.memref_squeeze %dma_start3A_350 : memref<1x1x1x512x128xf32, #tpu.memory_space<hbm>> -> memref<512x128xf32, #tpu.memory_space<hbm>>
      tpu.enqueue_dma source(%arg7 : memref<512x128xf32, #tpu.memory_space<vmem>>) target(%dma_start3A_351 : memref<512x128xf32, #tpu.memory_space<hbm>>) target_semaphore(%run_scoped3A_345 : memref<!tpu.dma_semaphore, #tpu.memory_space<semaphore_mem>>)
      %dma_wait3A_352 = arith.constant 0 : i32
      %dma_wait3A_353 = tpu.memref_slice %arg5[%select_n3A_40, %select_n3A_54, %run_scoped3A, %mul3A_72, %dma_wait3A_352] : memref<2x2x1x4096x128xf32, #tpu.memory_space<hbm>> -> memref<1x1x1x512x128xf32, #tpu.memory_space<hbm>>
      %dma_wait3A_354 = tpu.memref_squeeze %dma_wait3A_353 : memref<1x1x1x512x128xf32, #tpu.memory_space<hbm>> -> memref<512x128xf32, #tpu.memory_space<hbm>>
      %dma_wait3A_355 = arith.constant 0 : i32
      %dma_wait3A_356 = tpu.memref_slice %arg5[%select_n3A_40, %select_n3A_54, %run_scoped3A, %mul3A_72, %dma_wait3A_355] : memref<2x2x1x4096x128xf32, #tpu.memory_space<hbm>> -> memref<1x1x1x512x128xf32, #tpu.memory_space<hbm>>
      %dma_wait3A_357 = tpu.memref_squeeze %dma_wait3A_356 : memref<1x1x1x512x128xf32, #tpu.memory_space<hbm>> -> memref<512x128xf32, #tpu.memory_space<hbm>>
      tpu.wait_dma2 semaphore(%run_scoped3A_345 : memref<!tpu.dma_semaphore, #tpu.memory_space<semaphore_mem>>) src(%arg7 : memref<512x128xf32, #tpu.memory_space<vmem>>) dst(%dma_wait3A_357 : memref<512x128xf32, #tpu.memory_space<hbm>>)
      tpu.yield
    }) : () -> ()
    return
  }
}

</mosaic_0001>

<sc_bundles>
// kernel: kernel.3.cloned.1.call-start
scs
__scs_entry_jumppad:
0x0: {  	(pc) =	sbr.rel $0x88, $3  }
0x1: {  	(tag) =	ssettag $0x0;
	lr =	simm.s32 $0x1  }
0x2: {  	[smem:$0x3F9E] =	sst lr;
	_ =	strace $0xD0000000  }
0x3: {  	_ = 	snop  }
0x4: {  	_ = 	snop  }
0x5: {  	_ = 	snop  }
0x6: {  	_ = 	snop  }
0x7: {  	_ = 	snop  }
__scs_overlays_trampoline_lowered:
0x8: {  	[smem:$0x3FAD] =	sst s0  }
0x9: {  	[smem:$0x3FAE] =	sst s1  }
0xa: {  	[smem:$0x3FAF] =	sst s2  }
0xb: {  	[smem:$0x3FB0] =	sst s3  }
0xc: {  	[smem:$0x3FB1] =	sst s4  }
0xd: {  	[smem:$0x3FB2] =	sst s5  }
0xe: {  	[smem:$0x3FB3] =	sst s6  }
0xf: {  	[smem:$0x3FB4] =	sst s7  }
0x10: {  	[smem:$0x3FB5] =	sst s8  }
0x11: {  	[smem:$0x3FB6] =	sst s9;
	s0 =	simm.s32 @!p0 $0x0  }
0x12: {  	s1 =	sld [smem:$0x3F9C];
	s0 =	simm.s32 @p0 $0x1  }
0x13: {  	[smem:$0x3FB7] =	sst s0;
	s0 =	simm.s32 @!p1 $0x0  }
0x14: {  	s2 =	sld [smem:$0x3F9B];
	s0 =	simm.s32 @p1 $0x1  }
0x15: {  	[smem:$0x3FB8] =	sst s0;
	s0 =	simm.s32 @!p2 $0x0  }
0x16: {  	s3 =	sld [smem:$0x3FDB];
	s0 =	simm.s32 @p2 $0x1  }
0x17: {  	s4 =	simm.s32 $0x1BF5;
	[smem:$0x3FBA] =	sst s0  }
0x18: {  	s0 =	sld [smem:$0x3F9D];
	_ =	swait.ge [sflag:s4], $0x0  }
0x19: {  	s7 =	sld [smem:$0x3F9E]  }
0x1a: {  	s8 =	sadd.s32 $0xFFFFE003, lr  }
0x1b: {  	s9 =	sadd.s32 $0xFFFFFEF7, lr;
	s5 =	simm.s32 $0xFFFFFFFF;
	p2 =	slt.u32 s8, $0xFFFFF086  }
0x1c: {  	p1 =	slt.u32 s9, $0xF7A;
	s5 =	simm.s32 @!p2 $0x0  }
0x1d: {  	s5 =	simm.s32 @p1 $0x1;
	p0 =	seq.s32 s7, s2  }
0x1e: {  	s7 =	smul.u32 @!p0 $0xF7A, s2;
	p2 =	seq.s32 @!p0 s5, $0x0  }
0x1f: {  	s9 =	smul.u32 $0xF7A, s1;
	s8 =	simm.s32 @!p0 $0x1BF5;
	p2 =	por !p2, p0  }
0x20: {  	[sflag:s8] =	ssyncset.s32 @!p0 $0xFFFFF086;
	s6 =	sadd.s32 @!p0 s3, s7;
	s7 =	simm.s32 @!p0 $0x108  }
0x21: {  	s3 =	sadd.s32 s3, s9;
	s6 =	sadd.s32 @!p0 $0x88, s6;
	s7 =	simm.s32 @p2 $0x1082  }
0x22: {  	[simem:s7], [sflag:s8] =	dma.local @!p0 [hbm:s6], $0xF7A  }
0x23: {  	s9 =	sor.u32 $0xD0000000, s2;
	s6 =	simm.s32 $0x108;
	_ =	swait.ge @!p0 [sflag:s8], $0x0  }
0x24: {  	s3 =	sadd.s32 $0x88, s3;
	s6 =	simm.s32 @!p1 $0x1082;
	[sflag:s4] =	ssyncset.s32 $0xFFFFF086  }
0x25: {  	[simem:s6], [sflag:s4] =	dma.local [hbm:s3], $0xF7A  }
0x26: {  	[smem:$0x3F9E] =	sst s1;
	(tag) =	ssettag s2;
	_ =	strace s9  }
0x27: {  	s1 =	sld [smem:$0x3FAE]  }
0x28: {  	s2 =	sld [smem:$0x3FAF]  }
0x29: {  	s4 =	sld [smem:$0x3FB1]  }
0x2a: {  	p0 =	seq.s32 s5, $0x0;
	s5 =	sld [smem:$0x3FB2]  }
0x2b: {  	s6 =	sld [smem:$0x3FB3]  }
0x2c: {  	s7 =	sld [smem:$0x3FB4]  }
0x2d: {  	s3 =	simm.s32 $0x108;
	s8 =	sld [smem:$0x3FB5]  }
0x2e: {  	s3 =	simm.s32 @!p0 $0x1082;
	s9 =	sld [smem:$0x3FB6]  }
0x2f: {  	lr =	sadd.s32 s0, s3;
	s0 =	sld [smem:$0x3FAD]  }
0x30: {  	s3 =	sld [smem:$0x3FB0]  }
0x31: {  	[smem:$0x3FB9] =	sst s10  }
0x32: {  	s10 =	sld [smem:$0x3FB7];
	_ =	sdelay $0x3  }
0x33: {  	p0 =	seq.s32 s10, $0x1;
	s10 =	sld [smem:$0x3FB9];
	_ =	sdelay $0x3  }
0x34: {  	[smem:$0x3FB9] =	sst s10  }
0x35: {  	s10 =	sld [smem:$0x3FB8];
	_ =	sdelay $0x3  }
0x36: {  	p1 =	seq.s32 s10, $0x1;
	s10 =	sld [smem:$0x3FB9];
	_ =	sdelay $0x3  }
0x37: {  	[smem:$0x3FB9] =	sst s10  }
0x38: {  	s10 =	sld [smem:$0x3FBA]  }
0x39: {  	_ = 	snop;
	(pc) =	sbr.ind lr, $3  }
0x3a: {  	_ = 	snop  }
0x3b: {  	_ = 	snop  }
0x3c: {  	p2 =	seq.s32 s10, $0x1;
	s10 =	sld [smem:$0x3FB9]  }
0x3d: {  	_ =	shalt  }
0x3e: {  	_ =	shalt  }
0x3f: {  	_ =	shalt  }
0x40: {  	_ =	shalt  }
0x41: {  	_ =	shalt  }
0x42: {  	_ =	shalt  }
0x43: {  	_ =	shalt  }
0x44: {  	_ =	shalt  }
0x45: {  	_ =	shalt  }
0x46: {  	_ =	shalt  }
0x47: {  	_ =	shalt  }
0x48: {  	_ =	shalt  }
0x49: {  	_ =	shalt  }
0x4a: {  	_ =	shalt  }
0x4b: {  	_ =	shalt  }
0x4c: {  	_ =	shalt  }
0x4d: {  	_ =	shalt  }
0x4e: {  	_ =	shalt  }
0x4f: {  	_ =	shalt  }
0x50: {  	_ =	shalt  }
0x51: {  	_ =	shalt  }
0x52: {  	_ =	shalt  }
0x53: {  	_ =	shalt  }
0x54: {  	_ =	shalt  }
0x55: {  	_ =	shalt  }
0x56: {  	_ =	shalt  }
0x57: {  	_ =	shalt  }
0x58: {  	_ =	shalt  }
0x59: {  	_ =	shalt  }
0x5a: {  	_ =	shalt  }
0x5b: {  	_ =	shalt  }
0x5c: {  	_ =	shalt  }
0x5d: {  	_ =	shalt  }
0x5e: {  	_ =	shalt  }
0x5f: {  	_ =	shalt  }
0x60: {  	_ =	shalt  }
0x61: {  	_ =	shalt  }
0x62: {  	_ =	shalt  }
0x63: {  	_ =	shalt  }
0x64: {  	_ =	shalt  }
0x65: {  	_ =	shalt  }
0x66: {  	_ =	shalt  }
0x67: {  	_ =	shalt  }
0x68: {  	_ =	shalt  }
0x69: {  	_ =	shalt  }
0x6a: {  	_ =	shalt  }
0x6b: {  	_ =	shalt  }
0x6c: {  	_ =	shalt  }
0x6d: {  	_ =	shalt  }
0x6e: {  	_ =	shalt  }
0x6f: {  	_ =	shalt  }
0x70: {  	_ =	shalt  }
0x71: {  	_ =	shalt  }
0x72: {  	_ =	shalt  }
0x73: {  	_ =	shalt  }
0x74: {  	_ =	shalt  }
0x75: {  	_ =	shalt  }
0x76: {  	_ =	shalt  }
0x77: {  	_ =	shalt  }
0x78: {  	_ =	shalt  }
0x79: {  	_ =	shalt  }
0x7a: {  	_ =	shalt  }
0x7b: {  	_ =	shalt  }
0x7c: {  	_ =	shalt  }
0x7d: {  	_ =	shalt  }
0x7e: {  	_ =	shalt  }
0x7f: {  	_ =	shalt  }
0x80: {  	_ =	shalt  }
0x81: {  	_ =	shalt  }
0x82: {  	_ =	shalt  }
0x83: {  	_ =	shalt  }
0x84: {  	_ =	shalt  }
0x85: {  	_ =	shalt  }
0x86: {  	_ =	shalt  }
0x87: {  	_ =	shalt  }
.Lfunc_end0:
.L_simem_size_0:
called_computation_lowered:
.L_overlay_start_0:
0x88: {  	s2 =	sld [smem:$0x3FD9]  }
0x89: {  	s3 =	sld [smem:$0x3FFE];
	_ =	sdelay $0x1  }
0x8a: {  	s1 =	srdreg.scid  }
0x8b: {  	s0 =	sand.u32 $0x1, s1  }
0x8c: {  	s17 =	sshll.u32 s0, $0xA;
	s2 =	sadd.s32 s3, s2  }
0x8d: {  	s2 =	sadd.s32 s2, s17  }
0x8e: {  	[smem:$0x3FC5] =	sst s2  }
0x8f: {  	_ = 	snop  }
0x90: {  	s2 =	sld [smem:$0x3FC9]  }
0x91: {  	s18 =	sld [smem:$0x3FC7]  }
0x92: {  	s4 =	sld [smem:$0x3FD0];
	(tm) =	ssettm $0x1  }
0x93: {  	s5 =	sld [smem:$0x3FFB];
	_ =	sdelay $0x3  }
0x94: {  	_ =	strace s5  }
0x95: {  	s5 =	sld [smem:$0x3FFC];
	_ =	sdelay $0x3  }
0x96: {  	_ =	strace s5  }
0x97: {  	s5 =	sld [smem:$0x3FFD];
	_ =	sdelay $0x3  }
0x98: {  	_ =	strace s5  }
0x99: {  	_ =	strace $0x8FFFFFFF  }
0x9a: {  	s19 =	sld [smem:$0x3FDB];
	_ =	sdelay $0x1  }
0x9b: {  	s6 =	simm.s32 $_scs_section_size  }
0x9c: {  	s7 =	simm.s32 $_size__tile_overlayer_lowered;
	s8 =	simm.s32 $_tile_overlayer_lowered  }
0x9d: {  	s22 =	simm.s32 $0x1BFF;
	s21 =	sshll.u32 s8, $0x1;
	s5 =	sadd.s32 s6, s19  }
0x9e: {  	s9 =	simm.s32 $0x0;
	s20 =	sshll.u32 s7, $0x1;
	s7 =	sadd.s32 s21, s5  }
0x9f: {  	[timem:s9], [sflag:s22] =	dma.local [hbm:s7], s20  }
0xa0: {  	_ =	swait.ge [sflag:s22], s20  }
0xa1: {  	s6 =	ssub.s32 $0x0, s20;
	[sflag:s22] =	ssyncset.done $0x0  }
0xa2: {  	[sflag:s22] =	ssyncadd.s32 s6;
	_ =	sdelay $0x1  }
0xa3: {  	s23 =	simm.s32 $0x1B8B  }
0xa4: {  	_ =	swait.ge [sflag:s23], $0x1  }
0xa5: {  	[sflag:s23] =	ssyncset.done $0x0  }
0xa6: {  	s25 =	simm.s32 $0x1B8E;
	s24 =	sld [smem:$0x3FFE];
	[sflag:s23] =	ssyncadd.s32 $0xFFFFFFFF  }
0xa7: {  	s26 =	simm.s32 $execute0_lowered;
	[smem:$0x3FD2] =	sst s25  }
0xa8: {  	s7 =	sshll.u32 s26, $0x1;
	_ =	strace $0x80000046;
	[dreg:$0x1] =	wrdreg $0xFFFFFFFF  }
0xa9: {  	s28 =	simm.s32 $_size_execute0_lowered;
	s5 =	sadd.s32 s5, s7;
	[dreg:$0x0] =	wrdreg $0x0  }
0xaa: {  	s7 =	sshll.u32 s28, $0x1;
	[dreg:$0x2] =	wrdreg s5  }
0xab: {  	[dreg:$0x3] =	wrdreg s7  }
0xac: {  	[dreg:$0x4] =	wrdreg $0xC0  }
0xad: {  	_ =	task [dreg:s9], $0x5FFFF  }
0xae: {  	[dreg:$0x1] =	wrdreg $0xFFFFFFFF  }
0xaf: {  	[dreg:$0x0] =	wrdreg $0x60  }
0xb0: {  	[dreg:$0x2] =	wrdreg s2  }
0xb1: {  	[dreg:$0x3] =	wrdreg s24  }
0xb2: {  	[dreg:$0x4] =	wrdreg s18  }
0xb3: {  	[dreg:$0x5] =	wrdreg s4  }
0xb4: {  	[dreg:$0x6] =	wrdreg $0x9  }
0xb5: {  	_ =	task.clear_ibuf [dreg:s9], $0x7FFFF;
	_ =	strace $0x90000046  }
0xb6: {  	s29 =	simm.s32 $0x9;
	_ =	strace $0x80000048  }
0xb7: {  	_ =	swait.ge [sflag:s29], $0x1  }
0xb8: {  	[sflag:s29] =	ssyncadd.s32 $0xFFFFFFFF  }
0xb9: {  	_ =	strace $0x90000048  }
0xba: {  	_ =	sfence  }
0xbb: {  	s30 =	sld [smem:$0x0];
	_ =	sdelay $0x2  }
0xbc: {  	s31 =	sshll.u32 s1, $0xD;
	s1 =	sshrl.u32 s1, $0x2  }
0xbd: {  	s3 =	sand.u32 $0x4000, s31;
	s1 =	sadd.s32 s1, s30  }
0xbe: {  	s0 =	sor.u32 s3, s0;
	s1 =	sshll.u32 s1, $0x11  }
0xbf: {  	s0 =	sor.u32 s1, s0  }
0xc0: {  	s0 =	sadd.s32 $0x8F2B, s0  }
0xc1: {  	[sflag:s0] =	ssyncadd.remote.s32 $0x1  }
0xc2: {  	_ =	sfence.sel $0xFFFF  }
0xc3: {  	[dreg:$0x0] =	wrdreg $0xFFFFFFFF;
	(pc) =	sbr.abs _section_cstart, $3  }
0xc4: {  	[dreg:$0x1] =	wrdreg $0xFFFFFFFF  }
0xc5: {  	_ =	task.clear_ibuf [dreg:s9], $0x2FFFF;
	_ =	strace $0x9FFFFFFF  }
0xc6: {  	(tm) =	ssettm $0x7FFFFFFF  }
0xc7: {  	_ =	shalt  }
tec
execute0_lowered:
.L_overlay_start_1:
0x0: {  	(tag) =	ssettag $0x1  }
0x1: {  	s1 =	rddreg [dreg:$0x0]  }
0x2: {  	s4 =	rddreg [dreg:$0x1]  }
0x3: {  	s5 =	rddreg [dreg:$0x2]  }
0x4: {  	s6 =	rddreg [dreg:$0x3]  }
0x5: {  	s0 =	rddreg [dreg:$0x4]  }
0x6: {  	s3 =	simm.s32 $0x0;
	s7 =	srdreg.scid;
	s2 =	stileid.u32  }
0x7: {  	s13 =	simm.s32 $0x1;
	s14 =	simm.s32 $0x200;
	[smem:$0x7FF] =	sst s3  }
0x8: {  	s7 =	sand.u32 $0x1, s7;
	s8 =	sshll.u32 s2, $0x2;
	s10 =	sshll.u32 s2, $0x1  }
0x9: {  	s29 =	sshrl.u32 s2, $0x3;
	s12 =	sshll.u32 s2, $0xE;
	_ =	strace $0x80000047  }
0xa: {  	s9 =	ssub.s32 $0x2, s7;
	s8 =	sand.u32 $0x30, s8;
	s10 =	sand.u32 $0x6, s10  }
0xb: {  	s30 =	sshll.u32 s29, $0x4;
	s31 =	sand.u32 $0x10000, s12;
	s12 =	simm.s32 $0x2  }
0xc: {  	s11 =	sshrl.u32 s9, $0x1;
	s8 =	sadd.s32 s8, s4;
	s28 =	sor.u32 s7, s10  }
0xd: {  	s7 =	sshll.u32 s29, $0x11;
	s5 =	sadd.s32 s5, s30;
	s9 =	ssub.s32 s9, s11  }
0xe: {  	s10 =	sshll.u32 s28, $0xD;
	s4 =	sshll.u32 s28, $0x7;
	s6 =	sadd.s32 s6, s7  }
0xf: {  	s11 =	simm.s32 $0x10200;
	s4 =	sadd.s32 s4, s5;
	s5 =	sadd.s32 $0x400, s8  }
0x10: {  	s6 =	sadd.s32 s31, s6;
	s7 =	smax.u32 s9, $0x1;
	s8 =	simm.s32 $0x80  }
0x11: {  	s9 =	simm.s32 $0x100;
	s6 =	sadd.s32 s10, s6;
	s10 =	simm.s32 $0x10280  }
.LBB2_1:
0x12: {  	[tilespmem:s10], [sflag:$0x1] =	stream.strided.gather [hbm4b:s4+s8], $0x200, s9, s8, $0x38;
	[tilespmem:$0x10480] =	vst v63  }
0x13: {  	_ = 	snop  }
0x14: {  	[tilespmem:s11], [sflag:$0x2] =	stream.linear.gather [hbm4b:s5+s3], $0x80, $0x38;
	[tilespmem:$0x10480] =	vst v63  }
0x15: {  	_ =	swait.ge [sflag:s12], $0x80  }
0x16: {  	[sflag:s12] =	ssyncset.done $0x0  }
0x17: {  	[sflag:s12] =	ssyncadd.s32 $0xFFFFFF80  }
0x18: {  	v0 =	vld [tilespmem:$0x10200];
	_ =	swait.ge [sflag:s13], $0x200  }
0x19: {  	[sflag:s13] =	ssyncset.done $0x0  }
0x1a: {  	[sflag:s13] =	ssyncadd.s32 $0xFFFFFE00  }
0x1b: {  	v1 =	vld [tilespmem:$0x10280]  }
0x1c: {  	v2 =	vld [tilespmem:$0x10290]  }
0x1d: {  	v3 =	vld [tilespmem:$0x102A0]  }
0x1e: {  	v4 =	vld [tilespmem:$0x102B0];
	v0 =	vmul.u32 $0xC000, v0  }
0x1f: {  	v5 =	vld [tilespmem:$0x102C0]  }
0x20: {  	v6 =	vld [tilespmem:$0x102D0];
	v1 =	vadd.s32 v0, v1  }
0x21: {  	v9 =	vld [tilespmem:$0x102E0];
	v8 =	vadd.s32 v0, v2;
	[tilespmem:$0x0] =	vst v1  }
0x22: {  	v11 =	vld [tilespmem:$0x102F0];
	v10 =	vadd.s32 v0, v3;
	[tilespmem:$0x10] =	vst v8  }
0x23: {  	v13 =	vld [tilespmem:$0x10300];
	v12 =	vadd.s32 v0, v4;
	[tilespmem:$0x20] =	vst v10  }
0x24: {  	v15 =	vld [tilespmem:$0x10310];
	v14 =	vadd.s32 v0, v5;
	[tilespmem:$0x30] =	vst v12  }
0x25: {  	v17 =	vld [tilespmem:$0x10320];
	v16 =	vadd.s32 v0, v6;
	[tilespmem:$0x40] =	vst v14  }
0x26: {  	v19 =	vld [tilespmem:$0x10330];
	v18 =	vadd.s32 v0, v9;
	[tilespmem:$0x50] =	vst v16  }
0x27: {  	v21 =	vld [tilespmem:$0x10340];
	v20 =	vadd.s32 v0, v11;
	[tilespmem:$0x60] =	vst v18  }
0x28: {  	v23 =	vld [tilespmem:$0x10350];
	v22 =	vadd.s32 v0, v13;
	[tilespmem:$0x70] =	vst v20  }
0x29: {  	v25 =	vld [tilespmem:$0x10360];
	v24 =	vadd.s32 v0, v15;
	[tilespmem:$0x80] =	vst v22  }
0x2a: {  	v27 =	vld [tilespmem:$0x10370];
	v26 =	vadd.s32 v0, v17;
	[tilespmem:$0x90] =	vst v24  }
0x2b: {  	v29 =	vld [tilespmem:$0x10380];
	v28 =	vadd.s32 v0, v19;
	[tilespmem:$0xA0] =	vst v26  }
0x2c: {  	v31 =	vld [tilespmem:$0x10390];
	v30 =	vadd.s32 v0, v21;
	[tilespmem:$0xB0] =	vst v28  }
0x2d: {  	v33 =	vld [tilespmem:$0x103A0];
	v32 =	vadd.s32 v0, v23;
	[tilespmem:$0xC0] =	vst v30  }
0x2e: {  	v35 =	vld [tilespmem:$0x103B0];
	v34 =	vadd.s32 v0, v25;
	[tilespmem:$0xD0] =	vst v32  }
0x2f: {  	v37 =	vld [tilespmem:$0x103C0];
	v36 =	vadd.s32 v0, v27;
	[tilespmem:$0xE0] =	vst v34  }
0x30: {  	v39 =	vld [tilespmem:$0x103D0];
	v38 =	vadd.s32 v0, v29;
	[tilespmem:$0xF0] =	vst v36  }
0x31: {  	v41 =	vld [tilespmem:$0x103E0];
	v40 =	vadd.s32 v0, v31;
	[tilespmem:$0x100] =	vst v38  }
0x32: {  	v43 =	vld [tilespmem:$0x103F0];
	v42 =	vadd.s32 v0, v33;
	[tilespmem:$0x110] =	vst v40  }
0x33: {  	v45 =	vld [tilespmem:$0x10400];
	v44 =	vadd.s32 v0, v35;
	[tilespmem:$0x120] =	vst v42  }
0x34: {  	v47 =	vld [tilespmem:$0x10410];
	v46 =	vadd.s32 v0, v37;
	[tilespmem:$0x130] =	vst v44  }
0x35: {  	v49 =	vld [tilespmem:$0x10420];
	v48 =	vadd.s32 v0, v39;
	[tilespmem:$0x140] =	vst v46  }
0x36: {  	v51 =	vld [tilespmem:$0x10430];
	v50 =	vadd.s32 v0, v41;
	[tilespmem:$0x150] =	vst v48  }
0x37: {  	v53 =	vld [tilespmem:$0x10440];
	v52 =	vadd.s32 v0, v43;
	[tilespmem:$0x160] =	vst v50  }
0x38: {  	v55 =	vld [tilespmem:$0x10450];
	v54 =	vadd.s32 v0, v45;
	[tilespmem:$0x170] =	vst v52  }
0x39: {  	v57 =	vld [tilespmem:$0x10460];
	v56 =	vadd.s32 v0, v47;
	[tilespmem:$0x180] =	vst v54  }
0x3a: {  	v59 =	vld [tilespmem:$0x10470];
	v58 =	vadd.s32 v0, v49;
	[tilespmem:$0x190] =	vst v56  }
0x3b: {  	v60 =	vadd.s32 v0, v51;
	[tilespmem:$0x1A0] =	vst v58  }
0x3c: {  	v61 =	vadd.s32 v0, v53;
	[tilespmem:$0x1B0] =	vst v60  }
0x3d: {  	v62 =	vadd.s32 v0, v55;
	[tilespmem:$0x1C0] =	vst v61  }
0x3e: {  	v63 =	vadd.s32 v0, v57;
	[tilespmem:$0x1D0] =	vst v62  }
0x3f: {  	v0 =	vadd.s32 v0, v59;
	[tilespmem:$0x1E0] =	vst v63  }
0x40: {  	[tilespmem:$0x1F0] =	vst v0  }
0x41: {  	[tilespmem:s14], [sflag:$0x1] =	stream.indirect.gather [hbm4b:s1+s14], $0x80, s3, s14, $0xb8;
	[tilespmem:$0x10480] =	vst v63  }
0x42: {  	_ =	swait.ge [sflag:s13], $0x10000  }
0x43: {  	p0 =	sne.s32 s7, $0x1;
	[sflag:s13] =	ssyncset.done $0x0  }
.Ltmp0:
0x44: {  	[sflag:s13] =	ssyncadd.s32 $0xFFFF0000;
	(pc) =	sbr.rel @p0 .LBB2_1-.Ltmp0, $4  }
0x45: {  	[hbm4b:s6+s3] =	stream.linear.scatter [tilespmem:s14], [sflag:$0x2], $0x10000, $0x38;
	[tilespmem:$0x10480] =	vst v63  }
0x46: {  	_ =	swait.ge [sflag:s12], $0x10000  }
0x47: {  	[sflag:s12] =	ssyncset.done $0x0  }
0x48: {  	s7 =	sadd.s32 $0xFFFFFFFF, s7;
	[sflag:s12] =	ssyncadd.s32 $0xFFFF0000  }
0x49: {  	_ =	sfence.sel $0x180000  }
0x4a: {  	[bflag:$0x0] =	sbarrier.arrive $0xFFFF  }
0x4b: {  	p0 =	sne.s32 s2, $0x0;
	_ =	strace $0x90000047  }
0x4c: {  	s0 =	sadd.s32 @!p0 $0x100000, s0;
	[bflag:$0x2] =	sbarrier.arrive $0xFFFF  }
0x4d: {  	[sflag:s0] =	ssyncadd.tile.s32 @!p0 $0x1;
	_ =	shalt  }
.Lfunc_end2:
_tile_overlayer_lowered:
.L_overlay_start_2:
0x4e: {  	(tag) =	ssettag $0x2  }
0x4f: {  	s0 =	rddreg [dreg:$0x0];
	s2 =	stileid.u32  }
0x50: {  	s1 =	rddreg [dreg:$0x1];
	p0 =	sne.s32 s2, $0x0  }
0x51: {  	s3 =	rddreg [dreg:$0x2];
	[bflag:$0x3] =	sbarrier.arrive $0xFFFF;
	s2 =	simm.s32 @!p0 $0x1C02  }
0x52: {  	[timem:s3], [sflag:s2] =	dma.local @!p0 [hbm:s0], s1  }
0x53: {  	s0 =	simm.s32 @!p0 $0x2  }
0x54: {  	_ =	swait.ge @!p0 [sflag:s0], s1  }
0x55: {  	s1 =	ssub.s32 @!p0 $0x0, s1;
	[sflag:s0] =	ssyncset.done @!p0 $0x0  }
0x56: {  	[sflag:s0] =	ssyncadd.s32 @!p0 s1  }
0x57: {  	[bflag:$0x3] =	sbarrier.arrive $0xFFFF  }
0x58: {  	_ =	shalt  }

</sc_bundles>
